<compile_context>
chip_gen: v7x
topology: tpu7x:2x2x1
jax: 0.10.2.dev20260603
libtpu: 0.0.44.dev20260713+nightly
codegen_flags: <defaults>
</compile_context>

<pallas_src>
import jax
import jax.numpy as jnp
from jax import lax
from jax.experimental import pallas as pl
from jax.experimental.pallas import tpu as pltpu
from jax.experimental.pallas import tpu_sc as plsc
import functools

NC = 2
NS = 16
NW = NC * NS

R = 16384
S = 50
D = 128
B = R * S
B_PER_W = B // NW
NBUF = 4
CH = 200
N_GRP = B_PER_W // (NBUF * CH)
G_OFF = (0, 96)
G_LEN = (96, 104)


def _emb_body(idx_hbm, table_hbm, out_hbm, idx_v,
              rows_0, rows_1, rows_2, rows_3,
              gsem_0, gsem_1, gsem_2, gsem_3,
              ssem_0, ssem_1, ssem_2, ssem_3):
    rows = (rows_0, rows_1, rows_2, rows_3)
    gsem = (gsem_0, gsem_1, gsem_2, gsem_3)
    ssem = (ssem_0, ssem_1, ssem_2, ssem_3)
    wid = lax.axis_index("s") * NC + lax.axis_index("c")
    base = wid * B_PER_W
    pltpu.sync_copy(idx_hbm.at[pl.ds(base, B_PER_W)], idx_v)

    def drain_scatter(b, pos):
        pltpu.make_async_copy(rows[b], out_hbm.at[pl.ds(pos, CH)],
                              ssem[b]).wait()

    def fire_gathers(b, off):
        return [pltpu.async_copy(table_hbm.at[idx_v.at[pl.ds(off + o, n)]],
                                 rows[b].at[pl.ds(o, n)], gsem[b])
                for o, n in zip(G_OFF, G_LEN)]

    @pl.loop(0, N_GRP)
    def _grp(t):
        pos0 = base + t * (NBUF * CH)
        gs = []
        for b in range(NBUF):
            @pl.when(t > 0)
            def _(b=b):
                drain_scatter(b, pos0 + b * CH)
            gs.append(fire_gathers(b, (t * NBUF + b) * CH))
        for b in range(NBUF):
            for g in gs[b]:
                g.wait()
            pltpu.async_copy(rows[b], out_hbm.at[pl.ds(pos0 + b * CH, CH)],
                             ssem[b])

    for b in range(NBUF):
        drain_scatter(b, base + b * CH)


@functools.partial(jax.jit, static_argnames=())
def _emb_lookup(idx_flat, table):
    mesh = plsc.VectorSubcoreMesh(core_axis_name="c", subcore_axis_name="s")
    f = pl.kernel(
        _emb_body,
        out_type=jax.ShapeDtypeStruct((B, D), jnp.float32),
        mesh=mesh,
        scratch_types=(
            [pltpu.VMEM((B_PER_W,), jnp.int32)]
            + [pltpu.VMEM((CH, D), jnp.float32) for _ in range(NBUF)]
            + [pltpu.SemaphoreType.DMA for _ in range(2 * NBUF)]
        ),
    )
    return f(idx_flat, table)


def kernel(x, table):
    idx_flat = x.T.astype(jnp.int32).reshape(-1)
    out = _emb_lookup(idx_flat, table)
    return out.reshape(S, R, D).transpose(1, 0, 2)

# --- scband reference (transcript-rebuilt; emitter-appended) ---
"""Pipeline reference for scband-test-model-13451837571265 (READ-ONLY COPY).

The authoritative reference and input builder live on the scoring server;
editing this copy changes nothing except your own understanding.
"""

import jax, jax.numpy as jnp
import numpy as np

VOCAB = 60000
EMBED_DIM = 128

def setup_inputs(seed: int = 0) -> dict:
    key = jax.random.key(seed)
    k1, k2 = jax.random.split(key)
    x = jax.random.randint(k1, (16384, 50), 0, VOCAB, dtype=jnp.int64 if jax.config.jax_enable_x64 else jnp.int32)
    table = jax.random.normal(k2, (VOCAB, EMBED_DIM), dtype=jnp.float32)
    return {"x": x, "table": table}

def reference(x, table):
    # nn.Embedding forward: gather rows of the table by index
    return jnp.take(table, x, axis=0)

if __name__ == "__main__":
    import jax
    _d = setup_inputs()
    print(jax.jit(kernel)(*tuple(_d.values())))

</pallas_src>

<mosaic_0001>
#map = affine_map<(d0, d1) -> (0)>
#map1 = affine_map<(d0, d1) -> (0, 0)>
module attributes {stable_mosaic.version = 14 : i64} {
  func.func @_emb_body(%arg0: i32, %arg1: i32, %arg2: memref<819200xi32, #tpu.memory_space<hbm>>, %arg3: memref<60000x128xf32, #tpu.memory_space<hbm>>, %arg4: memref<819200x128xf32, #tpu.memory_space<hbm>>, %arg5: memref<25600xi32, #tpu.memory_space<vmem>>, %arg6: memref<200x128xf32, #tpu.memory_space<vmem>>, %arg7: memref<200x128xf32, #tpu.memory_space<vmem>>, %arg8: memref<200x128xf32, #tpu.memory_space<vmem>>, %arg9: memref<200x128xf32, #tpu.memory_space<vmem>>, %arg10: memref<!tpu.dma_semaphore, #tpu.memory_space<semaphore_mem>>, %arg11: memref<!tpu.dma_semaphore, #tpu.memory_space<semaphore_mem>>, %arg12: memref<!tpu.dma_semaphore, #tpu.memory_space<semaphore_mem>>, %arg13: memref<!tpu.dma_semaphore, #tpu.memory_space<semaphore_mem>>, %arg14: memref<!tpu.dma_semaphore, #tpu.memory_space<semaphore_mem>>, %arg15: memref<!tpu.dma_semaphore, #tpu.memory_space<semaphore_mem>>, %arg16: memref<!tpu.dma_semaphore, #tpu.memory_space<semaphore_mem>>, %arg17: memref<!tpu.dma_semaphore, #tpu.memory_space<semaphore_mem>>) attributes {dimension_semantics = [#tpu.dimension_semantics<core_parallel>, #tpu.dimension_semantics<subcore_parallel>], iteration_bounds = array<i64: 2, 16>, scalar_prefetch = 0 : i64, scratch_operands = 13 : i64, tpu.core_type = #tpu.core_type<sc_vector_subcore>, window_params = [{transform_indices = #map}, {transform_indices = #map1}, {transform_indices = #map1}]} {
    %mul3A = arith.constant 2 : i32
    %mul3A_0 = arith.muli %arg1, %mul3A : i32
    %add3A = arith.addi %mul3A_0, %arg0 : i32
    %mul3A_1 = arith.constant 25600 : i32
    %mul3A_2 = arith.muli %add3A, %mul3A_1 : i32
    "tpu.region"() ({
      %run_scoped3A = tpu.sem_alloc : memref<!tpu.dma_semaphore, #tpu.memory_space<semaphore_mem>>
      %dma_start3A = tpu.memref_slice %arg2[%mul3A_2] : memref<819200xi32, #tpu.memory_space<hbm>> -> memref<25600xi32, #tpu.memory_space<hbm>>
      %dma_start3A_30 = tpu.memref_slice %arg2[%mul3A_2] : memref<819200xi32, #tpu.memory_space<hbm>> -> memref<25600xi32, #tpu.memory_space<hbm>>
      tpu.enqueue_dma source(%dma_start3A_30 : memref<25600xi32, #tpu.memory_space<hbm>>) target(%arg5 : memref<25600xi32, #tpu.memory_space<vmem>>) target_semaphore(%run_scoped3A : memref<!tpu.dma_semaphore, #tpu.memory_space<semaphore_mem>>)
      %dma_wait3A_31 = tpu.memref_slice %arg2[%mul3A_2] : memref<819200xi32, #tpu.memory_space<hbm>> -> memref<25600xi32, #tpu.memory_space<hbm>>
      %dma_wait3A_32 = tpu.memref_slice %arg2[%mul3A_2] : memref<819200xi32, #tpu.memory_space<hbm>> -> memref<25600xi32, #tpu.memory_space<hbm>>
      tpu.wait_dma2 semaphore(%run_scoped3A : memref<!tpu.dma_semaphore, #tpu.memory_space<semaphore_mem>>) src(%dma_wait3A_32 : memref<25600xi32, #tpu.memory_space<hbm>>) dst(%arg5 : memref<25600xi32, #tpu.memory_space<vmem>>)
      tpu.yield
    }) : () -> ()
    %scan3A = arith.constant 0 : i32
    %scan3A_3 = arith.constant 32 : i32
    %scan3A_4 = arith.addi %scan3A, %scan3A_3 : i32
    %scan3A_5 = arith.constant 1 : i32
    scf.for %scan3A_30 = %scan3A to %scan3A_4 step %scan3A_5  : i32 {
      %mul3A_31 = arith.constant 1 : i32
      %mul3A_32 = arith.muli %scan3A_30, %mul3A_31 : i32
      %add3A_33 = arith.constant 0 : i32
      %add3A_34 = arith.addi %add3A_33, %mul3A_32 : i32
      %mul3A_35 = arith.constant 800 : i32
      %mul3A_36 = arith.muli %add3A_34, %mul3A_35 : i32
      %add3A_37 = arith.addi %mul3A_2, %mul3A_36 : i32
      %gt3A = arith.constant 0 : i32
      %gt3A_38 = arith.cmpi sgt, %add3A_34, %gt3A : i32
      %convert_element_type3A = arith.extui %gt3A_38 : i1 to i32
      %cond3A = arith.constant 0 : i32
      %cond3A_39 = arith.cmpi ne, %convert_element_type3A, %cond3A : i32
      scf.if %cond3A_39 {
        %add3A_230 = arith.constant 0 : i32
        %add3A_231 = arith.addi %add3A_37, %add3A_230 : i32
        %dma_wait3A_232 = arith.constant 0 : i32
        %dma_wait3A_233 = tpu.memref_slice %arg4[%add3A_231, %dma_wait3A_232] : memref<819200x128xf32, #tpu.memory_space<hbm>> -> memref<200x128xf32, #tpu.memory_space<hbm>>
        %dma_wait3A_234 = arith.constant 0 : i32
        %dma_wait3A_235 = tpu.memref_slice %arg4[%add3A_231, %dma_wait3A_234] : memref<819200x128xf32, #tpu.memory_space<hbm>> -> memref<200x128xf32, #tpu.memory_space<hbm>>
        tpu.wait_dma2 semaphore(%arg14 : memref<!tpu.dma_semaphore, #tpu.memory_space<semaphore_mem>>) src(%arg6 : memref<200x128xf32, #tpu.memory_space<vmem>>) dst(%dma_wait3A_235 : memref<200x128xf32, #tpu.memory_space<hbm>>)
      } else {
      }
      %mul3A_40 = arith.constant 4 : i32
      %mul3A_41 = arith.muli %add3A_34, %mul3A_40 : i32
      %add3A_42 = arith.constant 0 : i32
      %add3A_43 = arith.addi %mul3A_41, %add3A_42 : i32
      %mul3A_44 = arith.constant 200 : i32
      %mul3A_45 = arith.muli %add3A_43, %mul3A_44 : i32
      %add3A_46 = arith.constant 0 : i32
      %add3A_47 = arith.addi %mul3A_45, %add3A_46 : i32
      %dma_start3A = arith.constant 0 : i32
      %dma_start3A_48 = arith.constant 0 : i32
      %dma_start3A_49 = tpu.memref_slice %arg6[%dma_start3A, %dma_start3A_48] : memref<200x128xf32, #tpu.memory_space<vmem>> -> memref<96x128xf32, #tpu.memory_space<vmem>>
      %dma_start3A_50 = tpu.memref_slice %arg5[%add3A_47] : memref<25600xi32, #tpu.memory_space<vmem>> -> memref<96xi32, #tpu.memory_space<vmem>>
      %dma_start3A_51 = arith.constant 0 : i32
      %dma_start3A_52 = arith.constant 0 : i32
      %dma_start3A_53 = tpu.memref_slice %arg3[%dma_start3A_51, %dma_start3A_52] : memref<60000x128xf32, #tpu.memory_space<hbm>> -> memref<60000x128xf32, #tpu.memory_space<hbm>>
      tpu.enqueue_indirect_dma source(%dma_start3A_53 : memref<60000x128xf32, #tpu.memory_space<hbm>>) target(%dma_start3A_49 : memref<96x128xf32, #tpu.memory_space<vmem>>) offsets(%dma_start3A_50 : memref<96xi32, #tpu.memory_space<vmem>>) semaphore(%arg10 : memref<!tpu.dma_semaphore, #tpu.memory_space<semaphore_mem>>)
      %add3A_54 = arith.constant 96 : i32
      %add3A_55 = arith.addi %mul3A_45, %add3A_54 : i32
      %dma_start3A_56 = arith.constant 96 : i32
      %dma_start3A_57 = arith.constant 0 : i32
      %dma_start3A_58 = tpu.memref_slice %arg6[%dma_start3A_56, %dma_start3A_57] : memref<200x128xf32, #tpu.memory_space<vmem>> -> memref<104x128xf32, #tpu.memory_space<vmem>>
      %dma_start3A_59 = tpu.memref_slice %arg5[%add3A_55] : memref<25600xi32, #tpu.memory_space<vmem>> -> memref<104xi32, #tpu.memory_space<vmem>>
      %dma_start3A_60 = arith.constant 0 : i32
      %dma_start3A_61 = arith.constant 0 : i32
      %dma_start3A_62 = tpu.memref_slice %arg3[%dma_start3A_60, %dma_start3A_61] : memref<60000x128xf32, #tpu.memory_space<hbm>> -> memref<60000x128xf32, #tpu.memory_space<hbm>>
      tpu.enqueue_indirect_dma source(%dma_start3A_62 : memref<60000x128xf32, #tpu.memory_space<hbm>>) target(%dma_start3A_58 : memref<104x128xf32, #tpu.memory_space<vmem>>) offsets(%dma_start3A_59 : memref<104xi32, #tpu.memory_space<vmem>>) semaphore(%arg10 : memref<!tpu.dma_semaphore, #tpu.memory_space<semaphore_mem>>)
      %gt3A_63 = arith.constant 0 : i32
      %gt3A_64 = arith.cmpi sgt, %add3A_34, %gt3A_63 : i32
      %convert_element_type3A_65 = arith.extui %gt3A_64 : i1 to i32
      %cond3A_66 = arith.constant 0 : i32
      %cond3A_67 = arith.cmpi ne, %convert_element_type3A_65, %cond3A_66 : i32
      scf.if %cond3A_67 {
        %add3A_230 = arith.constant 200 : i32
        %add3A_231 = arith.addi %add3A_37, %add3A_230 : i32
        %dma_wait3A_232 = arith.constant 0 : i32
        %dma_wait3A_233 = tpu.memref_slice %arg4[%add3A_231, %dma_wait3A_232] : memref<819200x128xf32, #tpu.memory_space<hbm>> -> memref<200x128xf32, #tpu.memory_space<hbm>>
        %dma_wait3A_234 = arith.constant 0 : i32
        %dma_wait3A_235 = tpu.memref_slice %arg4[%add3A_231, %dma_wait3A_234] : memref<819200x128xf32, #tpu.memory_space<hbm>> -> memref<200x128xf32, #tpu.memory_space<hbm>>
        tpu.wait_dma2 semaphore(%arg15 : memref<!tpu.dma_semaphore, #tpu.memory_space<semaphore_mem>>) src(%arg7 : memref<200x128xf32, #tpu.memory_space<vmem>>) dst(%dma_wait3A_235 : memref<200x128xf32, #tpu.memory_space<hbm>>)
      } else {
      }
      %mul3A_68 = arith.constant 4 : i32
      %mul3A_69 = arith.muli %add3A_34, %mul3A_68 : i32
      %add3A_70 = arith.constant 1 : i32
      %add3A_71 = arith.addi %mul3A_69, %add3A_70 : i32
      %mul3A_72 = arith.constant 200 : i32
      %mul3A_73 = arith.muli %add3A_71, %mul3A_72 : i32
      %add3A_74 = arith.constant 0 : i32
      %add3A_75 = arith.addi %mul3A_73, %add3A_74 : i32
      %dma_start3A_76 = arith.constant 0 : i32
      %dma_start3A_77 = arith.constant 0 : i32
      %dma_start3A_78 = tpu.memref_slice %arg7[%dma_start3A_76, %dma_start3A_77] : memref<200x128xf32, #tpu.memory_space<vmem>> -> memref<96x128xf32, #tpu.memory_space<vmem>>
      %dma_start3A_79 = tpu.memref_slice %arg5[%add3A_75] : memref<25600xi32, #tpu.memory_space<vmem>> -> memref<96xi32, #tpu.memory_space<vmem>>
      %dma_start3A_80 = arith.constant 0 : i32
      %dma_start3A_81 = arith.constant 0 : i32
      %dma_start3A_82 = tpu.memref_slice %arg3[%dma_start3A_80, %dma_start3A_81] : memref<60000x128xf32, #tpu.memory_space<hbm>> -> memref<60000x128xf32, #tpu.memory_space<hbm>>
      tpu.enqueue_indirect_dma source(%dma_start3A_82 : memref<60000x128xf32, #tpu.memory_space<hbm>>) target(%dma_start3A_78 : memref<96x128xf32, #tpu.memory_space<vmem>>) offsets(%dma_start3A_79 : memref<96xi32, #tpu.memory_space<vmem>>) semaphore(%arg11 : memref<!tpu.dma_semaphore, #tpu.memory_space<semaphore_mem>>)
      %add3A_83 = arith.constant 96 : i32
      %add3A_84 = arith.addi %mul3A_73, %add3A_83 : i32
      %dma_start3A_85 = arith.constant 96 : i32
      %dma_start3A_86 = arith.constant 0 : i32
      %dma_start3A_87 = tpu.memref_slice %arg7[%dma_start3A_85, %dma_start3A_86] : memref<200x128xf32, #tpu.memory_space<vmem>> -> memref<104x128xf32, #tpu.memory_space<vmem>>
      %dma_start3A_88 = tpu.memref_slice %arg5[%add3A_84] : memref<25600xi32, #tpu.memory_space<vmem>> -> memref<104xi32, #tpu.memory_space<vmem>>
      %dma_start3A_89 = arith.constant 0 : i32
      %dma_start3A_90 = arith.constant 0 : i32
      %dma_start3A_91 = tpu.memref_slice %arg3[%dma_start3A_89, %dma_start3A_90] : memref<60000x128xf32, #tpu.memory_space<hbm>> -> memref<60000x128xf32, #tpu.memory_space<hbm>>
      tpu.enqueue_indirect_dma source(%dma_start3A_91 : memref<60000x128xf32, #tpu.memory_space<hbm>>) target(%dma_start3A_87 : memref<104x128xf32, #tpu.memory_space<vmem>>) offsets(%dma_start3A_88 : memref<104xi32, #tpu.memory_space<vmem>>) semaphore(%arg11 : memref<!tpu.dma_semaphore, #tpu.memory_space<semaphore_mem>>)
      %gt3A_92 = arith.constant 0 : i32
      %gt3A_93 = arith.cmpi sgt, %add3A_34, %gt3A_92 : i32
      %convert_element_type3A_94 = arith.extui %gt3A_93 : i1 to i32
      %cond3A_95 = arith.constant 0 : i32
      %cond3A_96 = arith.cmpi ne, %convert_element_type3A_94, %cond3A_95 : i32
      scf.if %cond3A_96 {
        %add3A_230 = arith.constant 400 : i32
        %add3A_231 = arith.addi %add3A_37, %add3A_230 : i32
        %dma_wait3A_232 = arith.constant 0 : i32
        %dma_wait3A_233 = tpu.memref_slice %arg4[%add3A_231, %dma_wait3A_232] : memref<819200x128xf32, #tpu.memory_space<hbm>> -> memref<200x128xf32, #tpu.memory_space<hbm>>
        %dma_wait3A_234 = arith.constant 0 : i32
        %dma_wait3A_235 = tpu.memref_slice %arg4[%add3A_231, %dma_wait3A_234] : memref<819200x128xf32, #tpu.memory_space<hbm>> -> memref<200x128xf32, #tpu.memory_space<hbm>>
        tpu.wait_dma2 semaphore(%arg16 : memref<!tpu.dma_semaphore, #tpu.memory_space<semaphore_mem>>) src(%arg8 : memref<200x128xf32, #tpu.memory_space<vmem>>) dst(%dma_wait3A_235 : memref<200x128xf32, #tpu.memory_space<hbm>>)
      } else {
      }
      %mul3A_97 = arith.constant 4 : i32
      %mul3A_98 = arith.muli %add3A_34, %mul3A_97 : i32
      %add3A_99 = arith.constant 2 : i32
      %add3A_100 = arith.addi %mul3A_98, %add3A_99 : i32
      %mul3A_101 = arith.constant 200 : i32
      %mul3A_102 = arith.muli %add3A_100, %mul3A_101 : i32
      %add3A_103 = arith.constant 0 : i32
      %add3A_104 = arith.addi %mul3A_102, %add3A_103 : i32
      %dma_start3A_105 = arith.constant 0 : i32
      %dma_start3A_106 = arith.constant 0 : i32
      %dma_start3A_107 = tpu.memref_slice %arg8[%dma_start3A_105, %dma_start3A_106] : memref<200x128xf32, #tpu.memory_space<vmem>> -> memref<96x128xf32, #tpu.memory_space<vmem>>
      %dma_start3A_108 = tpu.memref_slice %arg5[%add3A_104] : memref<25600xi32, #tpu.memory_space<vmem>> -> memref<96xi32, #tpu.memory_space<vmem>>
      %dma_start3A_109 = arith.constant 0 : i32
      %dma_start3A_110 = arith.constant 0 : i32
      %dma_start3A_111 = tpu.memref_slice %arg3[%dma_start3A_109, %dma_start3A_110] : memref<60000x128xf32, #tpu.memory_space<hbm>> -> memref<60000x128xf32, #tpu.memory_space<hbm>>
      tpu.enqueue_indirect_dma source(%dma_start3A_111 : memref<60000x128xf32, #tpu.memory_space<hbm>>) target(%dma_start3A_107 : memref<96x128xf32, #tpu.memory_space<vmem>>) offsets(%dma_start3A_108 : memref<96xi32, #tpu.memory_space<vmem>>) semaphore(%arg12 : memref<!tpu.dma_semaphore, #tpu.memory_space<semaphore_mem>>)
      %add3A_112 = arith.constant 96 : i32
      %add3A_113 = arith.addi %mul3A_102, %add3A_112 : i32
      %dma_start3A_114 = arith.constant 96 : i32
      %dma_start3A_115 = arith.constant 0 : i32
      %dma_start3A_116 = tpu.memref_slice %arg8[%dma_start3A_114, %dma_start3A_115] : memref<200x128xf32, #tpu.memory_space<vmem>> -> memref<104x128xf32, #tpu.memory_space<vmem>>
      %dma_start3A_117 = tpu.memref_slice %arg5[%add3A_113] : memref<25600xi32, #tpu.memory_space<vmem>> -> memref<104xi32, #tpu.memory_space<vmem>>
      %dma_start3A_118 = arith.constant 0 : i32
      %dma_start3A_119 = arith.constant 0 : i32
      %dma_start3A_120 = tpu.memref_slice %arg3[%dma_start3A_118, %dma_start3A_119] : memref<60000x128xf32, #tpu.memory_space<hbm>> -> memref<60000x128xf32, #tpu.memory_space<hbm>>
      tpu.enqueue_indirect_dma source(%dma_start3A_120 : memref<60000x128xf32, #tpu.memory_space<hbm>>) target(%dma_start3A_116 : memref<104x128xf32, #tpu.memory_space<vmem>>) offsets(%dma_start3A_117 : memref<104xi32, #tpu.memory_space<vmem>>) semaphore(%arg12 : memref<!tpu.dma_semaphore, #tpu.memory_space<semaphore_mem>>)
      %gt3A_121 = arith.constant 0 : i32
      %gt3A_122 = arith.cmpi sgt, %add3A_34, %gt3A_121 : i32
      %convert_element_type3A_123 = arith.extui %gt3A_122 : i1 to i32
      %cond3A_124 = arith.constant 0 : i32
      %cond3A_125 = arith.cmpi ne, %convert_element_type3A_123, %cond3A_124 : i32
      scf.if %cond3A_125 {
        %add3A_230 = arith.constant 600 : i32
        %add3A_231 = arith.addi %add3A_37, %add3A_230 : i32
        %dma_wait3A_232 = arith.constant 0 : i32
        %dma_wait3A_233 = tpu.memref_slice %arg4[%add3A_231, %dma_wait3A_232] : memref<819200x128xf32, #tpu.memory_space<hbm>> -> memref<200x128xf32, #tpu.memory_space<hbm>>
        %dma_wait3A_234 = arith.constant 0 : i32
        %dma_wait3A_235 = tpu.memref_slice %arg4[%add3A_231, %dma_wait3A_234] : memref<819200x128xf32, #tpu.memory_space<hbm>> -> memref<200x128xf32, #tpu.memory_space<hbm>>
        tpu.wait_dma2 semaphore(%arg17 : memref<!tpu.dma_semaphore, #tpu.memory_space<semaphore_mem>>) src(%arg9 : memref<200x128xf32, #tpu.memory_space<vmem>>) dst(%dma_wait3A_235 : memref<200x128xf32, #tpu.memory_space<hbm>>)
      } else {
      }
      %mul3A_126 = arith.constant 4 : i32
      %mul3A_127 = arith.muli %add3A_34, %mul3A_126 : i32
      %add3A_128 = arith.constant 3 : i32
      %add3A_129 = arith.addi %mul3A_127, %add3A_128 : i32
      %mul3A_130 = arith.constant 200 : i32
      %mul3A_131 = arith.muli %add3A_129, %mul3A_130 : i32
      %add3A_132 = arith.constant 0 : i32
      %add3A_133 = arith.addi %mul3A_131, %add3A_132 : i32
      %dma_start3A_134 = arith.constant 0 : i32
      %dma_start3A_135 = arith.constant 0 : i32
      %dma_start3A_136 = tpu.memref_slice %arg9[%dma_start3A_134, %dma_start3A_135] : memref<200x128xf32, #tpu.memory_space<vmem>> -> memref<96x128xf32, #tpu.memory_space<vmem>>
      %dma_start3A_137 = tpu.memref_slice %arg5[%add3A_133] : memref<25600xi32, #tpu.memory_space<vmem>> -> memref<96xi32, #tpu.memory_space<vmem>>
      %dma_start3A_138 = arith.constant 0 : i32
      %dma_start3A_139 = arith.constant 0 : i32
      %dma_start3A_140 = tpu.memref_slice %arg3[%dma_start3A_138, %dma_start3A_139] : memref<60000x128xf32, #tpu.memory_space<hbm>> -> memref<60000x128xf32, #tpu.memory_space<hbm>>
      tpu.enqueue_indirect_dma source(%dma_start3A_140 : memref<60000x128xf32, #tpu.memory_space<hbm>>) target(%dma_start3A_136 : memref<96x128xf32, #tpu.memory_space<vmem>>) offsets(%dma_start3A_137 : memref<96xi32, #tpu.memory_space<vmem>>) semaphore(%arg13 : memref<!tpu.dma_semaphore, #tpu.memory_space<semaphore_mem>>)
      %add3A_141 = arith.constant 96 : i32
      %add3A_142 = arith.addi %mul3A_131, %add3A_141 : i32
      %dma_start3A_143 = arith.constant 96 : i32
      %dma_start3A_144 = arith.constant 0 : i32
      %dma_start3A_145 = tpu.memref_slice %arg9[%dma_start3A_143, %dma_start3A_144] : memref<200x128xf32, #tpu.memory_space<vmem>> -> memref<104x128xf32, #tpu.memory_space<vmem>>
      %dma_start3A_146 = tpu.memref_slice %arg5[%add3A_142] : memref<25600xi32, #tpu.memory_space<vmem>> -> memref<104xi32, #tpu.memory_space<vmem>>
      %dma_start3A_147 = arith.constant 0 : i32
      %dma_start3A_148 = arith.constant 0 : i32
      %dma_start3A_149 = tpu.memref_slice %arg3[%dma_start3A_147, %dma_start3A_148] : memref<60000x128xf32, #tpu.memory_space<hbm>> -> memref<60000x128xf32, #tpu.memory_space<hbm>>
      tpu.enqueue_indirect_dma source(%dma_start3A_149 : memref<60000x128xf32, #tpu.memory_space<hbm>>) target(%dma_start3A_145 : memref<104x128xf32, #tpu.memory_space<vmem>>) offsets(%dma_start3A_146 : memref<104xi32, #tpu.memory_space<vmem>>) semaphore(%arg13 : memref<!tpu.dma_semaphore, #tpu.memory_space<semaphore_mem>>)
      %dma_wait3A_150 = arith.constant 0 : i32
      %dma_wait3A_151 = arith.constant 0 : i32
      %dma_wait3A_152 = tpu.memref_slice %arg6[%dma_wait3A_150, %dma_wait3A_151] : memref<200x128xf32, #tpu.memory_space<vmem>> -> memref<96x128xf32, #tpu.memory_space<vmem>>
      %dma_wait3A_153 = tpu.memref_slice %arg5[%add3A_47] : memref<25600xi32, #tpu.memory_space<vmem>> -> memref<96xi32, #tpu.memory_space<vmem>>
      %dma_wait3A_154 = arith.constant 0 : i32
      %dma_wait3A_155 = arith.constant 0 : i32
      %dma_wait3A_156 = tpu.memref_slice %arg3[%dma_wait3A_154, %dma_wait3A_155] : memref<60000x128xf32, #tpu.memory_space<hbm>> -> memref<60000x128xf32, #tpu.memory_space<hbm>>
      tpu.wait_indirect_dma semaphore(%arg10 : memref<!tpu.dma_semaphore, #tpu.memory_space<semaphore_mem>>) src(%dma_wait3A_156 : memref<60000x128xf32, #tpu.memory_space<hbm>>) dst(%dma_wait3A_152 : memref<96x128xf32, #tpu.memory_space<vmem>>)
      %dma_wait3A_157 = arith.constant 96 : i32
      %dma_wait3A_158 = arith.constant 0 : i32
      %dma_wait3A_159 = tpu.memref_slice %arg6[%dma_wait3A_157, %dma_wait3A_158] : memref<200x128xf32, #tpu.memory_space<vmem>> -> memref<104x128xf32, #tpu.memory_space<vmem>>
      %dma_wait3A_160 = tpu.memref_slice %arg5[%add3A_55] : memref<25600xi32, #tpu.memory_space<vmem>> -> memref<104xi32, #tpu.memory_space<vmem>>
      %dma_wait3A_161 = arith.constant 0 : i32
      %dma_wait3A_162 = arith.constant 0 : i32
      %dma_wait3A_163 = tpu.memref_slice %arg3[%dma_wait3A_161, %dma_wait3A_162] : memref<60000x128xf32, #tpu.memory_space<hbm>> -> memref<60000x128xf32, #tpu.memory_space<hbm>>
      tpu.wait_indirect_dma semaphore(%arg10 : memref<!tpu.dma_semaphore, #tpu.memory_space<semaphore_mem>>) src(%dma_wait3A_163 : memref<60000x128xf32, #tpu.memory_space<hbm>>) dst(%dma_wait3A_159 : memref<104x128xf32, #tpu.memory_space<vmem>>)
      %add3A_164 = arith.constant 0 : i32
      %add3A_165 = arith.addi %add3A_37, %add3A_164 : i32
      %dma_start3A_166 = arith.constant 0 : i32
      %dma_start3A_167 = tpu.memref_slice %arg4[%add3A_165, %dma_start3A_166] : memref<819200x128xf32, #tpu.memory_space<hbm>> -> memref<200x128xf32, #tpu.memory_space<hbm>>
      %dma_start3A_168 = arith.constant 0 : i32
      %dma_start3A_169 = tpu.memref_slice %arg4[%add3A_165, %dma_start3A_168] : memref<819200x128xf32, #tpu.memory_space<hbm>> -> memref<200x128xf32, #tpu.memory_space<hbm>>
      tpu.enqueue_dma source(%arg6 : memref<200x128xf32, #tpu.memory_space<vmem>>) target(%dma_start3A_169 : memref<200x128xf32, #tpu.memory_space<hbm>>) target_semaphore(%arg14 : memref<!tpu.dma_semaphore, #tpu.memory_space<semaphore_mem>>)
      %dma_wait3A_170 = arith.constant 0 : i32
      %dma_wait3A_171 = arith.constant 0 : i32
      %dma_wait3A_172 = tpu.memref_slice %arg7[%dma_wait3A_170, %dma_wait3A_171] : memref<200x128xf32, #tpu.memory_space<vmem>> -> memref<96x128xf32, #tpu.memory_space<vmem>>
      %dma_wait3A_173 = tpu.memref_slice %arg5[%add3A_75] : memref<25600xi32, #tpu.memory_space<vmem>> -> memref<96xi32, #tpu.memory_space<vmem>>
      %dma_wait3A_174 = arith.constant 0 : i32
      %dma_wait3A_175 = arith.constant 0 : i32
      %dma_wait3A_176 = tpu.memref_slice %arg3[%dma_wait3A_174, %dma_wait3A_175] : memref<60000x128xf32, #tpu.memory_space<hbm>> -> memref<60000x128xf32, #tpu.memory_space<hbm>>
      tpu.wait_indirect_dma semaphore(%arg11 : memref<!tpu.dma_semaphore, #tpu.memory_space<semaphore_mem>>) src(%dma_wait3A_176 : memref<60000x128xf32, #tpu.memory_space<hbm>>) dst(%dma_wait3A_172 : memref<96x128xf32, #tpu.memory_space<vmem>>)
      %dma_wait3A_177 = arith.constant 96 : i32
      %dma_wait3A_178 = arith.constant 0 : i32
      %dma_wait3A_179 = tpu.memref_slice %arg7[%dma_wait3A_177, %dma_wait3A_178] : memref<200x128xf32, #tpu.memory_space<vmem>> -> memref<104x128xf32, #tpu.memory_space<vmem>>
      %dma_wait3A_180 = tpu.memref_slice %arg5[%add3A_84] : memref<25600xi32, #tpu.memory_space<vmem>> -> memref<104xi32, #tpu.memory_space<vmem>>
      %dma_wait3A_181 = arith.constant 0 : i32
      %dma_wait3A_182 = arith.constant 0 : i32
      %dma_wait3A_183 = tpu.memref_slice %arg3[%dma_wait3A_181, %dma_wait3A_182] : memref<60000x128xf32, #tpu.memory_space<hbm>> -> memref<60000x128xf32, #tpu.memory_space<hbm>>
      tpu.wait_indirect_dma semaphore(%arg11 : memref<!tpu.dma_semaphore, #tpu.memory_space<semaphore_mem>>) src(%dma_wait3A_183 : memref<60000x128xf32, #tpu.memory_space<hbm>>) dst(%dma_wait3A_179 : memref<104x128xf32, #tpu.memory_space<vmem>>)
      %add3A_184 = arith.constant 200 : i32
      %add3A_185 = arith.addi %add3A_37, %add3A_184 : i32
      %dma_start3A_186 = arith.constant 0 : i32
      %dma_start3A_187 = tpu.memref_slice %arg4[%add3A_185, %dma_start3A_186] : memref<819200x128xf32, #tpu.memory_space<hbm>> -> memref<200x128xf32, #tpu.memory_space<hbm>>
      %dma_start3A_188 = arith.constant 0 : i32
      %dma_start3A_189 = tpu.memref_slice %arg4[%add3A_185, %dma_start3A_188] : memref<819200x128xf32, #tpu.memory_space<hbm>> -> memref<200x128xf32, #tpu.memory_space<hbm>>
      tpu.enqueue_dma source(%arg7 : memref<200x128xf32, #tpu.memory_space<vmem>>) target(%dma_start3A_189 : memref<200x128xf32, #tpu.memory_space<hbm>>) target_semaphore(%arg15 : memref<!tpu.dma_semaphore, #tpu.memory_space<semaphore_mem>>)
      %dma_wait3A_190 = arith.constant 0 : i32
      %dma_wait3A_191 = arith.constant 0 : i32
      %dma_wait3A_192 = tpu.memref_slice %arg8[%dma_wait3A_190, %dma_wait3A_191] : memref<200x128xf32, #tpu.memory_space<vmem>> -> memref<96x128xf32, #tpu.memory_space<vmem>>
      %dma_wait3A_193 = tpu.memref_slice %arg5[%add3A_104] : memref<25600xi32, #tpu.memory_space<vmem>> -> memref<96xi32, #tpu.memory_space<vmem>>
      %dma_wait3A_194 = arith.constant 0 : i32
      %dma_wait3A_195 = arith.constant 0 : i32
      %dma_wait3A_196 = tpu.memref_slice %arg3[%dma_wait3A_194, %dma_wait3A_195] : memref<60000x128xf32, #tpu.memory_space<hbm>> -> memref<60000x128xf32, #tpu.memory_space<hbm>>
      tpu.wait_indirect_dma semaphore(%arg12 : memref<!tpu.dma_semaphore, #tpu.memory_space<semaphore_mem>>) src(%dma_wait3A_196 : memref<60000x128xf32, #tpu.memory_space<hbm>>) dst(%dma_wait3A_192 : memref<96x128xf32, #tpu.memory_space<vmem>>)
      %dma_wait3A_197 = arith.constant 96 : i32
      %dma_wait3A_198 = arith.constant 0 : i32
      %dma_wait3A_199 = tpu.memref_slice %arg8[%dma_wait3A_197, %dma_wait3A_198] : memref<200x128xf32, #tpu.memory_space<vmem>> -> memref<104x128xf32, #tpu.memory_space<vmem>>
      %dma_wait3A_200 = tpu.memref_slice %arg5[%add3A_113] : memref<25600xi32, #tpu.memory_space<vmem>> -> memref<104xi32, #tpu.memory_space<vmem>>
      %dma_wait3A_201 = arith.constant 0 : i32
      %dma_wait3A_202 = arith.constant 0 : i32
      %dma_wait3A_203 = tpu.memref_slice %arg3[%dma_wait3A_201, %dma_wait3A_202] : memref<60000x128xf32, #tpu.memory_space<hbm>> -> memref<60000x128xf32, #tpu.memory_space<hbm>>
      tpu.wait_indirect_dma semaphore(%arg12 : memref<!tpu.dma_semaphore, #tpu.memory_space<semaphore_mem>>) src(%dma_wait3A_203 : memref<60000x128xf32, #tpu.memory_space<hbm>>) dst(%dma_wait3A_199 : memref<104x128xf32, #tpu.memory_space<vmem>>)
      %add3A_204 = arith.constant 400 : i32
      %add3A_205 = arith.addi %add3A_37, %add3A_204 : i32
      %dma_start3A_206 = arith.constant 0 : i32
      %dma_start3A_207 = tpu.memref_slice %arg4[%add3A_205, %dma_start3A_206] : memref<819200x128xf32, #tpu.memory_space<hbm>> -> memref<200x128xf32, #tpu.memory_space<hbm>>
      %dma_start3A_208 = arith.constant 0 : i32
      %dma_start3A_209 = tpu.memref_slice %arg4[%add3A_205, %dma_start3A_208] : memref<819200x128xf32, #tpu.memory_space<hbm>> -> memref<200x128xf32, #tpu.memory_space<hbm>>
      tpu.enqueue_dma source(%arg8 : memref<200x128xf32, #tpu.memory_space<vmem>>) target(%dma_start3A_209 : memref<200x128xf32, #tpu.memory_space<hbm>>) target_semaphore(%arg16 : memref<!tpu.dma_semaphore, #tpu.memory_space<semaphore_mem>>)
      %dma_wait3A_210 = arith.constant 0 : i32
      %dma_wait3A_211 = arith.constant 0 : i32
      %dma_wait3A_212 = tpu.memref_slice %arg9[%dma_wait3A_210, %dma_wait3A_211] : memref<200x128xf32, #tpu.memory_space<vmem>> -> memref<96x128xf32, #tpu.memory_space<vmem>>
      %dma_wait3A_213 = tpu.memref_slice %arg5[%add3A_133] : memref<25600xi32, #tpu.memory_space<vmem>> -> memref<96xi32, #tpu.memory_space<vmem>>
      %dma_wait3A_214 = arith.constant 0 : i32
      %dma_wait3A_215 = arith.constant 0 : i32
      %dma_wait3A_216 = tpu.memref_slice %arg3[%dma_wait3A_214, %dma_wait3A_215] : memref<60000x128xf32, #tpu.memory_space<hbm>> -> memref<60000x128xf32, #tpu.memory_space<hbm>>
      tpu.wait_indirect_dma semaphore(%arg13 : memref<!tpu.dma_semaphore, #tpu.memory_space<semaphore_mem>>) src(%dma_wait3A_216 : memref<60000x128xf32, #tpu.memory_space<hbm>>) dst(%dma_wait3A_212 : memref<96x128xf32, #tpu.memory_space<vmem>>)
      %dma_wait3A_217 = arith.constant 96 : i32
      %dma_wait3A_218 = arith.constant 0 : i32
      %dma_wait3A_219 = tpu.memref_slice %arg9[%dma_wait3A_217, %dma_wait3A_218] : memref<200x128xf32, #tpu.memory_space<vmem>> -> memref<104x128xf32, #tpu.memory_space<vmem>>
      %dma_wait3A_220 = tpu.memref_slice %arg5[%add3A_142] : memref<25600xi32, #tpu.memory_space<vmem>> -> memref<104xi32, #tpu.memory_space<vmem>>
      %dma_wait3A_221 = arith.constant 0 : i32
      %dma_wait3A_222 = arith.constant 0 : i32
      %dma_wait3A_223 = tpu.memref_slice %arg3[%dma_wait3A_221, %dma_wait3A_222] : memref<60000x128xf32, #tpu.memory_space<hbm>> -> memref<60000x128xf32, #tpu.memory_space<hbm>>
      tpu.wait_indirect_dma semaphore(%arg13 : memref<!tpu.dma_semaphore, #tpu.memory_space<semaphore_mem>>) src(%dma_wait3A_223 : memref<60000x128xf32, #tpu.memory_space<hbm>>) dst(%dma_wait3A_219 : memref<104x128xf32, #tpu.memory_space<vmem>>)
      %add3A_224 = arith.constant 600 : i32
      %add3A_225 = arith.addi %add3A_37, %add3A_224 : i32
      %dma_start3A_226 = arith.constant 0 : i32
      %dma_start3A_227 = tpu.memref_slice %arg4[%add3A_225, %dma_start3A_226] : memref<819200x128xf32, #tpu.memory_space<hbm>> -> memref<200x128xf32, #tpu.memory_space<hbm>>
      %dma_start3A_228 = arith.constant 0 : i32
      %dma_start3A_229 = tpu.memref_slice %arg4[%add3A_225, %dma_start3A_228] : memref<819200x128xf32, #tpu.memory_space<hbm>> -> memref<200x128xf32, #tpu.memory_space<hbm>>
      tpu.enqueue_dma source(%arg9 : memref<200x128xf32, #tpu.memory_space<vmem>>) target(%dma_start3A_229 : memref<200x128xf32, #tpu.memory_space<hbm>>) target_semaphore(%arg17 : memref<!tpu.dma_semaphore, #tpu.memory_space<semaphore_mem>>)
    }
    %scan3A_6 = arith.constant 32 : i32
    %add3A_7 = arith.constant 0 : i32
    %add3A_8 = arith.addi %mul3A_2, %add3A_7 : i32
    %dma_wait3A = arith.constant 0 : i32
    %dma_wait3A_9 = tpu.memref_slice %arg4[%add3A_8, %dma_wait3A] : memref<819200x128xf32, #tpu.memory_space<hbm>> -> memref<200x128xf32, #tpu.memory_space<hbm>>
    %dma_wait3A_10 = arith.constant 0 : i32
    %dma_wait3A_11 = tpu.memref_slice %arg4[%add3A_8, %dma_wait3A_10] : memref<819200x128xf32, #tpu.memory_space<hbm>> -> memref<200x128xf32, #tpu.memory_space<hbm>>
    tpu.wait_dma2 semaphore(%arg14 : memref<!tpu.dma_semaphore, #tpu.memory_space<semaphore_mem>>) src(%arg6 : memref<200x128xf32, #tpu.memory_space<vmem>>) dst(%dma_wait3A_11 : memref<200x128xf32, #tpu.memory_space<hbm>>)
    %add3A_12 = arith.constant 200 : i32
    %add3A_13 = arith.addi %mul3A_2, %add3A_12 : i32
    %dma_wait3A_14 = arith.constant 0 : i32
    %dma_wait3A_15 = tpu.memref_slice %arg4[%add3A_13, %dma_wait3A_14] : memref<819200x128xf32, #tpu.memory_space<hbm>> -> memref<200x128xf32, #tpu.memory_space<hbm>>
    %dma_wait3A_16 = arith.constant 0 : i32
    %dma_wait3A_17 = tpu.memref_slice %arg4[%add3A_13, %dma_wait3A_16] : memref<819200x128xf32, #tpu.memory_space<hbm>> -> memref<200x128xf32, #tpu.memory_space<hbm>>
    tpu.wait_dma2 semaphore(%arg15 : memref<!tpu.dma_semaphore, #tpu.memory_space<semaphore_mem>>) src(%arg7 : memref<200x128xf32, #tpu.memory_space<vmem>>) dst(%dma_wait3A_17 : memref<200x128xf32, #tpu.memory_space<hbm>>)
    %add3A_18 = arith.constant 400 : i32
    %add3A_19 = arith.addi %mul3A_2, %add3A_18 : i32
    %dma_wait3A_20 = arith.constant 0 : i32
    %dma_wait3A_21 = tpu.memref_slice %arg4[%add3A_19, %dma_wait3A_20] : memref<819200x128xf32, #tpu.memory_space<hbm>> -> memref<200x128xf32, #tpu.memory_space<hbm>>
    %dma_wait3A_22 = arith.constant 0 : i32
    %dma_wait3A_23 = tpu.memref_slice %arg4[%add3A_19, %dma_wait3A_22] : memref<819200x128xf32, #tpu.memory_space<hbm>> -> memref<200x128xf32, #tpu.memory_space<hbm>>
    tpu.wait_dma2 semaphore(%arg16 : memref<!tpu.dma_semaphore, #tpu.memory_space<semaphore_mem>>) src(%arg8 : memref<200x128xf32, #tpu.memory_space<vmem>>) dst(%dma_wait3A_23 : memref<200x128xf32, #tpu.memory_space<hbm>>)
    %add3A_24 = arith.constant 600 : i32
    %add3A_25 = arith.addi %mul3A_2, %add3A_24 : i32
    %dma_wait3A_26 = arith.constant 0 : i32
    %dma_wait3A_27 = tpu.memref_slice %arg4[%add3A_25, %dma_wait3A_26] : memref<819200x128xf32, #tpu.memory_space<hbm>> -> memref<200x128xf32, #tpu.memory_space<hbm>>
    %dma_wait3A_28 = arith.constant 0 : i32
    %dma_wait3A_29 = tpu.memref_slice %arg4[%add3A_25, %dma_wait3A_28] : memref<819200x128xf32, #tpu.memory_space<hbm>> -> memref<200x128xf32, #tpu.memory_space<hbm>>
    tpu.wait_dma2 semaphore(%arg17 : memref<!tpu.dma_semaphore, #tpu.memory_space<semaphore_mem>>) src(%arg9 : memref<200x128xf32, #tpu.memory_space<vmem>>) dst(%dma_wait3A_29 : memref<200x128xf32, #tpu.memory_space<hbm>>)
    return
  }
}

</mosaic_0001>

<sc_bundles>
// kernel: _emb_lookup.3.cloned.1.call-start
scs
__scs_entry_jumppad:
0x0: {  	(pc) =	sbr.rel $0x88, $3  }
0x1: {  	(tag) =	ssettag $0x0;
	lr =	simm.s32 $0x1  }
0x2: {  	[smem:$0x3F9F] =	sst lr;
	_ =	strace $0xD0000000  }
0x3: {  	_ = 	snop  }
0x4: {  	_ = 	snop  }
0x5: {  	_ = 	snop  }
0x6: {  	_ = 	snop  }
0x7: {  	_ = 	snop  }
__scs_overlays_trampoline_lowered:
0x8: {  	[smem:$0x3FAE] =	sst s0  }
0x9: {  	[smem:$0x3FAF] =	sst s1  }
0xa: {  	[smem:$0x3FB0] =	sst s2  }
0xb: {  	[smem:$0x3FB1] =	sst s3  }
0xc: {  	[smem:$0x3FB2] =	sst s4  }
0xd: {  	[smem:$0x3FB3] =	sst s5  }
0xe: {  	[smem:$0x3FB4] =	sst s6  }
0xf: {  	[smem:$0x3FB5] =	sst s7  }
0x10: {  	[smem:$0x3FB6] =	sst s8  }
0x11: {  	[smem:$0x3FB7] =	sst s9;
	s0 =	simm.s32 @!p0 $0x0  }
0x12: {  	s1 =	sld [smem:$0x3F9D];
	s0 =	simm.s32 @p0 $0x1  }
0x13: {  	[smem:$0x3FB8] =	sst s0;
	s0 =	simm.s32 @!p1 $0x0  }
0x14: {  	s2 =	sld [smem:$0x3F9C];
	s0 =	simm.s32 @p1 $0x1  }
0x15: {  	[smem:$0x3FB9] =	sst s0;
	s0 =	simm.s32 @!p2 $0x0  }
0x16: {  	s3 =	sld [smem:$0x3FDB];
	s0 =	simm.s32 @p2 $0x1  }
0x17: {  	s4 =	simm.s32 $0x1BF5;
	[smem:$0x3FBB] =	sst s0  }
0x18: {  	s0 =	sld [smem:$0x3F9E];
	_ =	swait.ge [sflag:s4], $0x0  }
0x19: {  	s7 =	sld [smem:$0x3F9F]  }
0x1a: {  	s8 =	sadd.s32 $0xFFFFE003, lr  }
0x1b: {  	s9 =	sadd.s32 $0xFFFFFEF7, lr;
	s5 =	simm.s32 $0xFFFFFFFF;
	p2 =	slt.u32 s8, $0xFFFFF086  }
0x1c: {  	p1 =	slt.u32 s9, $0xF7A;
	s5 =	simm.s32 @!p2 $0x0  }
0x1d: {  	s5 =	simm.s32 @p1 $0x1;
	p0 =	seq.s32 s7, s2  }
0x1e: {  	s7 =	smul.u32 @!p0 $0xF7A, s2;
	p2 =	seq.s32 @!p0 s5, $0x0  }
0x1f: {  	s9 =	smul.u32 $0xF7A, s1;
	s8 =	simm.s32 @!p0 $0x1BF5;
	p2 =	por !p2, p0  }
0x20: {  	[sflag:s8] =	ssyncset.s32 @!p0 $0xFFFFF086;
	s6 =	sadd.s32 @!p0 s3, s7;
	s7 =	simm.s32 @!p0 $0x108  }
0x21: {  	s3 =	sadd.s32 s3, s9;
	s6 =	sadd.s32 @!p0 $0x88, s6;
	s7 =	simm.s32 @p2 $0x1082  }
0x22: {  	[simem:s7], [sflag:s8] =	dma.local @!p0 [hbm:s6], $0xF7A  }
0x23: {  	s9 =	sor.u32 $0xD0000000, s2;
	s6 =	simm.s32 $0x108;
	_ =	swait.ge @!p0 [sflag:s8], $0x0  }
0x24: {  	s3 =	sadd.s32 $0x88, s3;
	s6 =	simm.s32 @!p1 $0x1082;
	[sflag:s4] =	ssyncset.s32 $0xFFFFF086  }
0x25: {  	[simem:s6], [sflag:s4] =	dma.local [hbm:s3], $0xF7A  }
0x26: {  	[smem:$0x3F9F] =	sst s1;
	(tag) =	ssettag s2;
	_ =	strace s9  }
0x27: {  	s1 =	sld [smem:$0x3FAF]  }
0x28: {  	s2 =	sld [smem:$0x3FB0]  }
0x29: {  	s4 =	sld [smem:$0x3FB2]  }
0x2a: {  	p0 =	seq.s32 s5, $0x0;
	s5 =	sld [smem:$0x3FB3]  }
0x2b: {  	s6 =	sld [smem:$0x3FB4]  }
0x2c: {  	s7 =	sld [smem:$0x3FB5]  }
0x2d: {  	s3 =	simm.s32 $0x108;
	s8 =	sld [smem:$0x3FB6]  }
0x2e: {  	s3 =	simm.s32 @!p0 $0x1082;
	s9 =	sld [smem:$0x3FB7]  }
0x2f: {  	lr =	sadd.s32 s0, s3;
	s0 =	sld [smem:$0x3FAE]  }
0x30: {  	s3 =	sld [smem:$0x3FB1]  }
0x31: {  	[smem:$0x3FBA] =	sst s10  }
0x32: {  	s10 =	sld [smem:$0x3FB8];
	_ =	sdelay $0x3  }
0x33: {  	p0 =	seq.s32 s10, $0x1;
	s10 =	sld [smem:$0x3FBA];
	_ =	sdelay $0x3  }
0x34: {  	[smem:$0x3FBA] =	sst s10  }
0x35: {  	s10 =	sld [smem:$0x3FB9];
	_ =	sdelay $0x3  }
0x36: {  	p1 =	seq.s32 s10, $0x1;
	s10 =	sld [smem:$0x3FBA];
	_ =	sdelay $0x3  }
0x37: {  	[smem:$0x3FBA] =	sst s10  }
0x38: {  	s10 =	sld [smem:$0x3FBB]  }
0x39: {  	_ = 	snop;
	(pc) =	sbr.ind lr, $3  }
0x3a: {  	_ = 	snop  }
0x3b: {  	_ = 	snop  }
0x3c: {  	p2 =	seq.s32 s10, $0x1;
	s10 =	sld [smem:$0x3FBA]  }
0x3d: {  	_ =	shalt  }
0x3e: {  	_ =	shalt  }
0x3f: {  	_ =	shalt  }
0x40: {  	_ =	shalt  }
0x41: {  	_ =	shalt  }
0x42: {  	_ =	shalt  }
0x43: {  	_ =	shalt  }
0x44: {  	_ =	shalt  }
0x45: {  	_ =	shalt  }
0x46: {  	_ =	shalt  }
0x47: {  	_ =	shalt  }
0x48: {  	_ =	shalt  }
0x49: {  	_ =	shalt  }
0x4a: {  	_ =	shalt  }
0x4b: {  	_ =	shalt  }
0x4c: {  	_ =	shalt  }
0x4d: {  	_ =	shalt  }
0x4e: {  	_ =	shalt  }
0x4f: {  	_ =	shalt  }
0x50: {  	_ =	shalt  }
0x51: {  	_ =	shalt  }
0x52: {  	_ =	shalt  }
0x53: {  	_ =	shalt  }
0x54: {  	_ =	shalt  }
0x55: {  	_ =	shalt  }
0x56: {  	_ =	shalt  }
0x57: {  	_ =	shalt  }
0x58: {  	_ =	shalt  }
0x59: {  	_ =	shalt  }
0x5a: {  	_ =	shalt  }
0x5b: {  	_ =	shalt  }
0x5c: {  	_ =	shalt  }
0x5d: {  	_ =	shalt  }
0x5e: {  	_ =	shalt  }
0x5f: {  	_ =	shalt  }
0x60: {  	_ =	shalt  }
0x61: {  	_ =	shalt  }
0x62: {  	_ =	shalt  }
0x63: {  	_ =	shalt  }
0x64: {  	_ =	shalt  }
0x65: {  	_ =	shalt  }
0x66: {  	_ =	shalt  }
0x67: {  	_ =	shalt  }
0x68: {  	_ =	shalt  }
0x69: {  	_ =	shalt  }
0x6a: {  	_ =	shalt  }
0x6b: {  	_ =	shalt  }
0x6c: {  	_ =	shalt  }
0x6d: {  	_ =	shalt  }
0x6e: {  	_ =	shalt  }
0x6f: {  	_ =	shalt  }
0x70: {  	_ =	shalt  }
0x71: {  	_ =	shalt  }
0x72: {  	_ =	shalt  }
0x73: {  	_ =	shalt  }
0x74: {  	_ =	shalt  }
0x75: {  	_ =	shalt  }
0x76: {  	_ =	shalt  }
0x77: {  	_ =	shalt  }
0x78: {  	_ =	shalt  }
0x79: {  	_ =	shalt  }
0x7a: {  	_ =	shalt  }
0x7b: {  	_ =	shalt  }
0x7c: {  	_ =	shalt  }
0x7d: {  	_ =	shalt  }
0x7e: {  	_ =	shalt  }
0x7f: {  	_ =	shalt  }
0x80: {  	_ =	shalt  }
0x81: {  	_ =	shalt  }
0x82: {  	_ =	shalt  }
0x83: {  	_ =	shalt  }
0x84: {  	_ =	shalt  }
0x85: {  	_ =	shalt  }
0x86: {  	_ =	shalt  }
0x87: {  	_ =	shalt  }
.Lfunc_end0:
.L_simem_size_0:
called_computation_lowered:
.L_overlay_start_0:
0x88: {  	s2 =	sld [smem:$0x3FD9]  }
0x89: {  	s3 =	sld [smem:$0x3FFE];
	_ =	sdelay $0x1  }
0x8a: {  	s1 =	srdreg.scid  }
0x8b: {  	s0 =	sand.u32 $0x1, s1  }
0x8c: {  	s18 =	sshll.u32 s0, $0xA;
	s2 =	sadd.s32 s3, s2  }
0x8d: {  	s2 =	sadd.s32 s2, s18  }
0x8e: {  	[smem:$0x3FC6] =	sst s2  }
0x8f: {  	_ = 	snop  }
0x90: {  	s2 =	sld [smem:$0x3FC9]  }
0x91: {  	s19 =	sld [smem:$0x3FC8]  }
0x92: {  	s4 =	sld [smem:$0x3FD0];
	(tm) =	ssettm $0x1  }
0x93: {  	s5 =	sld [smem:$0x3FFB];
	_ =	sdelay $0x3  }
0x94: {  	_ =	strace s5  }
0x95: {  	s5 =	sld [smem:$0x3FFC];
	_ =	sdelay $0x3  }
0x96: {  	_ =	strace s5  }
0x97: {  	s5 =	sld [smem:$0x3FFD];
	_ =	sdelay $0x3  }
0x98: {  	_ =	strace s5  }
0x99: {  	_ =	strace $0x8FFFFFFF  }
0x9a: {  	s20 =	sld [smem:$0x3FDB];
	_ =	sdelay $0x1  }
0x9b: {  	s6 =	simm.s32 $_scs_section_size  }
0x9c: {  	s7 =	simm.s32 $_size__tile_overlayer_lowered;
	s8 =	simm.s32 $_tile_overlayer_lowered  }
0x9d: {  	s23 =	simm.s32 $0x1BFF;
	s22 =	sshll.u32 s8, $0x1;
	s5 =	sadd.s32 s6, s20  }
0x9e: {  	s9 =	simm.s32 $0x0;
	s21 =	sshll.u32 s7, $0x1;
	s7 =	sadd.s32 s22, s5  }
0x9f: {  	[timem:s9], [sflag:s23] =	dma.local [hbm:s7], s21  }
0xa0: {  	_ =	swait.ge [sflag:s23], s21  }
0xa1: {  	s6 =	ssub.s32 $0x0, s21;
	[sflag:s23] =	ssyncset.done $0x0  }
0xa2: {  	[sflag:s23] =	ssyncadd.s32 s6;
	_ =	sdelay $0x1  }
0xa3: {  	s24 =	simm.s32 $0x1B8B  }
0xa4: {  	_ =	swait.ge [sflag:s24], $0x1  }
0xa5: {  	[sflag:s24] =	ssyncset.done $0x0  }
0xa6: {  	s25 =	simm.s32 $0x1B8E;
	[sflag:s24] =	ssyncadd.s32 $0xFFFFFFFF  }
0xa7: {  	s26 =	simm.s32 $execute0_lowered;
	[smem:$0x3FD2] =	sst s25  }
0xa8: {  	s6 =	sshll.u32 s26, $0x1;
	_ =	strace $0x80000046;
	[dreg:$0x1] =	wrdreg $0xFFFFFFFF  }
0xa9: {  	s28 =	simm.s32 $_size_execute0_lowered;
	s5 =	sadd.s32 s5, s6;
	[dreg:$0x0] =	wrdreg $0x0  }
0xaa: {  	s6 =	sshll.u32 s28, $0x1;
	[dreg:$0x2] =	wrdreg s5  }
0xab: {  	[dreg:$0x3] =	wrdreg s6  }
0xac: {  	[dreg:$0x4] =	wrdreg $0xC0  }
0xad: {  	_ =	task [dreg:s9], $0x5FFFF  }
0xae: {  	[dreg:$0x1] =	wrdreg $0xFFFFFFFF  }
0xaf: {  	[dreg:$0x0] =	wrdreg $0x60  }
0xb0: {  	[dreg:$0x2] =	wrdreg s2  }
0xb1: {  	[dreg:$0x3] =	wrdreg s19  }
0xb2: {  	[dreg:$0x4] =	wrdreg s4  }
0xb3: {  	[dreg:$0x5] =	wrdreg $0x9  }
0xb4: {  	_ =	task.clear_ibuf [dreg:s9], $0x6FFFF;
	_ =	strace $0x90000046  }
0xb5: {  	s29 =	simm.s32 $0x9;
	_ =	strace $0x80000048  }
0xb6: {  	_ =	swait.ge [sflag:s29], $0x1  }
0xb7: {  	[sflag:s29] =	ssyncadd.s32 $0xFFFFFFFF  }
0xb8: {  	_ =	strace $0x90000048  }
0xb9: {  	_ =	sfence  }
0xba: {  	s30 =	sld [smem:$0x0];
	_ =	sdelay $0x2  }
0xbb: {  	s31 =	sshll.u32 s1, $0xD;
	s1 =	sshrl.u32 s1, $0x2  }
0xbc: {  	s3 =	sand.u32 $0x4000, s31;
	s1 =	sadd.s32 s1, s30  }
0xbd: {  	s0 =	sor.u32 s3, s0;
	s1 =	sshll.u32 s1, $0x11  }
0xbe: {  	s0 =	sor.u32 s1, s0  }
0xbf: {  	s0 =	sadd.s32 $0x8F2B, s0  }
0xc0: {  	[sflag:s0] =	ssyncadd.remote.s32 $0x1  }
0xc1: {  	_ =	sfence.sel $0xFFFF  }
0xc2: {  	[dreg:$0x0] =	wrdreg $0xFFFFFFFF;
	(pc) =	sbr.abs _section_cstart, $3  }
0xc3: {  	[dreg:$0x1] =	wrdreg $0xFFFFFFFF  }
0xc4: {  	_ =	task.clear_ibuf [dreg:s9], $0x2FFFF;
	_ =	strace $0x9FFFFFFF  }
0xc5: {  	(tm) =	ssettm $0x7FFFFFFF  }
tec
execute0_lowered:
.L_overlay_start_1:
0x0: {  	(tag) =	ssettag $0x1  }
0x1: {  	s4 =	rddreg [dreg:$0x0]  }
0x2: {  	s2 =	rddreg [dreg:$0x1];
	s1 =	srdreg.scid  }
0x3: {  	s0 =	stileid.u32;
	s6 =	rddreg [dreg:$0x2]  }
0x4: {  	s3 =	simm.s32 $0x0;
	s26 =	simm.s32 $0x60;
	s28 =	simm.s32 $0x68  }
0x5: {  	s29 =	simm.s32 $0x1C000;
	s30 =	simm.s32 $0x6400;
	s31 =	simm.s32 $0xC800  }
0x6: {  	s12 =	simm.s32 $0x12C00;
	s5 =	sand.u32 $0x1, s1;
	s1 =	rddreg [dreg:$0x3]  }
0x7: {  	s11 =	simm.s32 $0x3;
	s13 =	simm.s32 $0x5;
	[smem:$0x7FF] =	sst s3  }
0x8: {  	s14 =	simm.s32 $0x6;
	_ =	strace $0x80000047;
	[dreg:$0x4] =	wrdreg s26  }
0x9: {  	s15 =	simm.s32 $0x7;
	s16 =	simm.s32 $0x8;
	[dreg:$0x6] =	wrdreg s28  }
0xa: {  	s17 =	simm.s32 $0x0;
	s7 =	sshll.u32 s0, $0x1;
	[dreg:$0x5] =	wrdreg s29  }
0xb: {  	s10 =	smul.u32 $0xC8000, s0;
	s7 =	sor.u32 s5, s7;
	[dreg:$0x7] =	wrdreg s30  }
0xc: {  	s8 =	ssub.s32 $0x2, s5;
	s25 =	smul.u32 $0x64000, s5;
	[dreg:$0x8] =	wrdreg s31  }
0xd: {  	[dreg:$0x9] =	wrdreg s12;
	s12 =	simm.s32 $0x4;
	s7 =	smul.u32 $0x6400, s7  }
0xe: {  	s9 =	sshrl.u32 s8, $0x1;
	s6 =	sadd.s32 s10, s6;
	s10 =	simm.s32 $0x2  }
0xf: {  	s8 =	ssub.s32 s8, s9;
	s6 =	sadd.s32 s25, s6;
	s9 =	simm.s32 $0x1  }
0x10: {  	s7 =	sshrl.u32 s7, $0x3;
	s5 =	smax.u32 s8, $0x1;
	s6 =	sadd.s32 $0x2580, s6  }
0x11: {  	s8 =	simm.s32 $0x19000;
	s4 =	sadd.s32 s4, s7;
	s7 =	simm.s32 $0x9  }
.LBB2_1:
0x12: {  	[tilespmem:s3], [sflag:$0x9] =	stream.linear.gather [hbm4b:s4+s3], $0x6400, $0x38;
	[tilespmem:$0x1F400] =	vst v63  }
0x13: {  	p0 =	por $0x1, $0x1  }
0x14: {  	_ =	swait.ge [sflag:s7], $0x6400;
	p0 =	por p0, p0  }
0x15: {  	[sflag:s7] =	ssyncset.done $0x0;
	s18 =	simm.s32 @p0 $0x0  }
0x16: {  	s19 =	simm.s32 @p0 $0x60;
	s20 =	simm.s32 @p0 $0x6400;
	[sflag:s7] =	ssyncadd.s32 $0xFFFF9C00  }
0x17: {  	[tilespmem:s20], [sflag:$0x1] =	stream.indirect.gather @p0 [hbm4b:s2+s19], $0x80, s18, s19, $0xb8;
	[tilespmem:$0x1F400] =	vst v63  }
0x18: {  	s21 =	simm.s32 @p0 $0x68;
	s18 =	simm.s32 @p0 $0x9400;
	s20 =	simm.s32 @p0 $0x60  }
0x19: {  	[tilespmem:s18], [sflag:$0x1] =	stream.indirect.gather @p0 [hbm4b:s2+s21], $0x80, s20, s21, $0xb8;
	[tilespmem:$0x1F400] =	vst v63  }
0x1a: {  	s18 =	simm.s32 @p0 $0xC8;
	s20 =	simm.s32 @p0 $0xC800  }
0x1b: {  	[tilespmem:s20], [sflag:$0x2] =	stream.indirect.gather @p0 [hbm4b:s2+s19], $0x80, s18, s19, $0xb8;
	[tilespmem:$0x1F400] =	vst v63  }
0x1c: {  	s18 =	simm.s32 @p0 $0x128;
	s20 =	simm.s32 @p0 $0xF800  }
0x1d: {  	[tilespmem:s20], [sflag:$0x2] =	stream.indirect.gather @p0 [hbm4b:s2+s21], $0x80, s18, s21, $0xb8;
	[tilespmem:$0x1F400] =	vst v63  }
0x1e: {  	s18 =	simm.s32 @p0 $0x190;
	s20 =	simm.s32 @p0 $0x12C00  }
0x1f: {  	[tilespmem:s20], [sflag:$0x3] =	stream.indirect.gather @p0 [hbm4b:s2+s19], $0x80, s18, s19, $0xb8;
	[tilespmem:$0x1F400] =	vst v63  }
0x20: {  	s18 =	simm.s32 @p0 $0x1F0;
	s19 =	simm.s32 @p0 $0x15C00;
	s20 =	simm.s32 @!p0 $0x5  }
0x21: {  	[tilespmem:s19], [sflag:$0x3] =	stream.indirect.gather @p0 [hbm4b:s2+s21], $0x80, s18, s21, $0xb8;
	[tilespmem:$0x1F400] =	vst v63  }
0x22: {  	_ =	swait.ge @!p0 [sflag:s20], $0x6400  }
0x23: {  	s22 =	simm.s32 @!p0 $0x68;
	s19 =	simm.s32 @!p0 $0x6400;
	[sflag:s20] =	ssyncset.done @!p0 $0x0  }
0x24: {  	s21 =	simm.s32 @!p0 $0x60;
	[sflag:s20] =	ssyncadd.s32 @!p0 $0xFFFF9C00;
	s20 =	simm.s32 @!p0 $0x0  }
0x25: {  	[tilespmem:s19], [sflag:$0x1] =	stream.indirect.gather @!p0 [hbm4b:s2+s21], $0x80, s20, s21, $0xb8;
	[tilespmem:$0x1F400] =	vst v63  }
0x26: {  	s18 =	simm.s32 @!p0 $0x6;
	s19 =	simm.s32 @!p0 $0x9400;
	s20 =	simm.s32 @!p0 $0x60  }
0x27: {  	[tilespmem:s19], [sflag:$0x1] =	stream.indirect.gather @!p0 [hbm4b:s2+s22], $0x80, s20, s22, $0xb8;
	[tilespmem:$0x1F400] =	vst v63  }
0x28: {  	_ =	swait.ge @!p0 [sflag:s18], $0x6400  }
0x29: {  	[sflag:s18] =	ssyncset.done @!p0 $0x0  }
0x2a: {  	s19 =	simm.s32 @!p0 $0xC8;
	[sflag:s18] =	ssyncadd.s32 @!p0 $0xFFFF9C00;
	s18 =	simm.s32 @!p0 $0xC800  }
0x2b: {  	[tilespmem:s18], [sflag:$0x2] =	stream.indirect.gather @!p0 [hbm4b:s2+s21], $0x80, s19, s21, $0xb8;
	[tilespmem:$0x1F400] =	vst v63  }
0x2c: {  	s20 =	simm.s32 @!p0 $0x7;
	s18 =	simm.s32 @!p0 $0x128;
	s19 =	simm.s32 @!p0 $0xF800  }
0x2d: {  	[tilespmem:s19], [sflag:$0x2] =	stream.indirect.gather @!p0 [hbm4b:s2+s22], $0x80, s18, s22, $0xb8;
	[tilespmem:$0x1F400] =	vst v63  }
0x2e: {  	_ =	swait.ge @!p0 [sflag:s20], $0x6400  }
0x2f: {  	[sflag:s20] =	ssyncset.done @!p0 $0x0  }
0x30: {  	s18 =	simm.s32 @!p0 $0x190;
	s19 =	simm.s32 @!p0 $0x12C00;
	[sflag:s20] =	ssyncadd.s32 @!p0 $0xFFFF9C00  }
0x31: {  	[tilespmem:s19], [sflag:$0x3] =	stream.indirect.gather @!p0 [hbm4b:s2+s21], $0x80, s18, s21, $0xb8;
	[tilespmem:$0x1F400] =	vst v63  }
0x32: {  	s20 =	simm.s32 @!p0 $0x8;
	s18 =	simm.s32 @!p0 $0x1F0;
	s19 =	simm.s32 @!p0 $0x15C00  }
0x33: {  	[tilespmem:s19], [sflag:$0x3] =	stream.indirect.gather @!p0 [hbm4b:s2+s22], $0x80, s18, s22, $0xb8;
	[tilespmem:$0x1F400] =	vst v63  }
0x34: {  	_ =	swait.ge @!p0 [sflag:s20], $0x6400  }
0x35: {  	s19 =	rddreg [dreg:$0x4];
	[sflag:s20] =	ssyncset.done @!p0 $0x0  }
0x36: {  	s22 =	simm.s32 $0x258;
	s21 =	rddreg [dreg:$0x6];
	[sflag:s20] =	ssyncadd.s32 @!p0 $0xFFFF9C00  }
0x37: {  	[tilespmem:s8], [sflag:$0x4] =	stream.indirect.gather [hbm4b:s2+s19], $0x80, s22, s19, $0xb8;
	[tilespmem:$0x1F400] =	vst v63  }
0x38: {  	s24 =	simm.s32 $0x2B8;
	s23 =	rddreg [dreg:$0x5]  }
0x39: {  	[tilespmem:s23], [sflag:$0x4] =	stream.indirect.gather [hbm4b:s2+s21], $0x80, s24, s21, $0xb8;
	[tilespmem:$0x1F400] =	vst v63  }
0x3a: {  	_ =	swait.ge [sflag:s9], $0x3000  }
0x3b: {  	[sflag:s9] =	ssyncset.done $0x0  }
0x3c: {  	[sflag:s9] =	ssyncadd.s32 $0xFFFFD000  }
0x3d: {  	_ =	swait.ge [sflag:s9], $0x3400  }
0x3e: {  	[sflag:s9] =	ssyncset.done $0x0  }
0x3f: {  	s26 =	sadd.s32 $0xFFFFDA80, s6;
	s25 =	rddreg [dreg:$0x7];
	[sflag:s9] =	ssyncadd.s32 $0xFFFFCC00  }
0x40: {  	[hbm4b:s26+s3] =	stream.linear.scatter [tilespmem:s25], [sflag:$0x5], $0x6400, $0x38;
	[tilespmem:$0x1F400] =	vst v63  }
0x41: {  	_ =	swait.ge [sflag:s10], $0x3000  }
0x42: {  	[sflag:s10] =	ssyncset.done $0x0  }
0x43: {  	[sflag:s10] =	ssyncadd.s32 $0xFFFFD000  }
0x44: {  	_ =	swait.ge [sflag:s10], $0x3400  }
0x45: {  	[sflag:s10] =	ssyncset.done $0x0  }
0x46: {  	s29 =	sadd.s32 $0xFFFFE700, s6;
	s28 =	rddreg [dreg:$0x8];
	[sflag:s10] =	ssyncadd.s32 $0xFFFFCC00  }
0x47: {  	[hbm4b:s29+s3] =	stream.linear.scatter [tilespmem:s28], [sflag:$0x6], $0x6400, $0x38;
	[tilespmem:$0x1F400] =	vst v63  }
0x48: {  	_ =	swait.ge [sflag:s11], $0x3000  }
0x49: {  	[sflag:s11] =	ssyncset.done $0x0  }
0x4a: {  	[sflag:s11] =	ssyncadd.s32 $0xFFFFD000  }
0x4b: {  	_ =	swait.ge [sflag:s11], $0x3400  }
0x4c: {  	[sflag:s11] =	ssyncset.done $0x0  }
0x4d: {  	s31 =	sadd.s32 $0xFFFFF380, s6;
	s30 =	rddreg [dreg:$0x9];
	[sflag:s11] =	ssyncadd.s32 $0xFFFFCC00  }
0x4e: {  	[hbm4b:s31+s3] =	stream.linear.scatter [tilespmem:s30], [sflag:$0x7], $0x6400, $0x38;
	[tilespmem:$0x1F400] =	vst v63  }
0x4f: {  	_ =	swait.ge [sflag:s12], $0x3000  }
0x50: {  	[sflag:s12] =	ssyncset.done $0x0  }
0x51: {  	p6 =	por $0x0, $0x0;
	[sflag:s12] =	ssyncadd.s32 $0xFFFFD000  }
0x52: {  	s18 =	sadd.s32 $0x3200, s6;
	s20 =	simm.s32 $0x1900;
	_ =	swait.ge [sflag:s12], $0x3400  }
0x53: {  	p0 =	por p6, p6;
	s19 =	simm.s32 $0xC80;
	[sflag:s12] =	ssyncset.done $0x0  }
0x54: {  	s23 =	simm.s32 @p0 $0x9400;
	s21 =	smov.u32 s6;
	[sflag:s12] =	ssyncadd.s32 $0xFFFFCC00  }
.LBB2_2:
0x55: {  	[hbm4b:s21+s3] =	stream.linear.scatter [tilespmem:s8], [sflag:$0x8], $0x6400, $0x38;
	[tilespmem:$0x1F400] =	vst v63  }
0x56: {  	s24 =	sshra.s32 @p0 s19, $0x2;
	s25 =	simm.s32 @p0 $0x60;
	s26 =	simm.s32 @p0 $0x6400  }
0x57: {  	[tilespmem:s26], [sflag:$0x1] =	stream.indirect.gather @p0 [hbm4b:s2+s25], $0x80, s24, s25, $0xb8;
	[tilespmem:$0x1F400] =	vst v63  }
0x58: {  	s28 =	simm.s32 @p0 $0x68;
	s26 =	sadd.s32 @p0 $0x60, s24  }
0x59: {  	[tilespmem:s23], [sflag:$0x1] =	stream.indirect.gather @p0 [hbm4b:s2+s28], $0x80, s26, s28, $0xb8;
	[tilespmem:$0x1F400] =	vst v63  }
0x5a: {  	s23 =	sadd.s32 @p0 $0xC8, s24;
	s26 =	simm.s32 @p0 $0xC800  }
0x5b: {  	[tilespmem:s26], [sflag:$0x2] =	stream.indirect.gather @p0 [hbm4b:s2+s25], $0x80, s23, s25, $0xb8;
	[tilespmem:$0x1F400] =	vst v63  }
0x5c: {  	s23 =	sadd.s32 @p0 $0x128, s24;
	s26 =	simm.s32 @p0 $0xF800  }
0x5d: {  	[tilespmem:s26], [sflag:$0x2] =	stream.indirect.gather @p0 [hbm4b:s2+s28], $0x80, s23, s28, $0xb8;
	[tilespmem:$0x1F400] =	vst v63  }
0x5e: {  	s23 =	sadd.s32 @p0 $0x190, s24;
	s26 =	simm.s32 @p0 $0x12C00  }
0x5f: {  	[tilespmem:s26], [sflag:$0x3] =	stream.indirect.gather @p0 [hbm4b:s2+s25], $0x80, s23, s25, $0xb8;
	[tilespmem:$0x1F400] =	vst v63  }
0x60: {  	s23 =	sadd.s32 @p0 $0x1F0, s24;
	s24 =	simm.s32 @p0 $0x15C00;
	s25 =	simm.s32 @!p0 $0x5  }
0x61: {  	[tilespmem:s24], [sflag:$0x3] =	stream.indirect.gather @p0 [hbm4b:s2+s28], $0x80, s23, s28, $0xb8;
	[tilespmem:$0x1F400] =	vst v63  }
0x62: {  	_ =	swait.ge @!p0 [sflag:s25], $0x6400  }
0x63: {  	s29 =	simm.s32 @!p0 $0x68;
	s24 =	simm.s32 @!p0 $0x6400;
	[sflag:s25] =	ssyncset.done @!p0 $0x0  }
0x64: {  	s28 =	simm.s32 @!p0 $0x60;
	[sflag:s25] =	ssyncadd.s32 @!p0 $0xFFFF9C00;
	s25 =	sshra.s32 @!p0 s19, $0x2  }
0x65: {  	[tilespmem:s24], [sflag:$0x1] =	stream.indirect.gather @!p0 [hbm4b:s2+s28], $0x80, s25, s28, $0xb8;
	[tilespmem:$0x1F400] =	vst v63  }
0x66: {  	s26 =	simm.s32 @!p0 $0x9400;
	s23 =	simm.s32 @!p0 $0x6;
	s24 =	sadd.s32 @!p0 $0x60, s25  }
0x67: {  	[tilespmem:s26], [sflag:$0x1] =	stream.indirect.gather @!p0 [hbm4b:s2+s29], $0x80, s24, s29, $0xb8;
	[tilespmem:$0x1F400] =	vst v63  }
0x68: {  	_ =	swait.ge @!p0 [sflag:s23], $0x6400  }
0x69: {  	[sflag:s23] =	ssyncset.done @!p0 $0x0  }
0x6a: {  	s24 =	sadd.s32 @!p0 $0xC8, s25;
	[sflag:s23] =	ssyncadd.s32 @!p0 $0xFFFF9C00;
	s23 =	simm.s32 @!p0 $0xC800  }
0x6b: {  	[tilespmem:s23], [sflag:$0x2] =	stream.indirect.gather @!p0 [hbm4b:s2+s28], $0x80, s24, s28, $0xb8;
	[tilespmem:$0x1F400] =	vst v63  }
0x6c: {  	s30 =	sadd.s32 @!p0 $0x128, s25;
	s23 =	simm.s32 @!p0 $0xF800;
	s24 =	simm.s32 @!p0 $0x7  }
0x6d: {  	[tilespmem:s23], [sflag:$0x2] =	stream.indirect.gather @!p0 [hbm4b:s2+s29], $0x80, s30, s29, $0xb8;
	[tilespmem:$0x1F400] =	vst v63  }
0x6e: {  	_ =	swait.ge @!p0 [sflag:s24], $0x6400  }
0x6f: {  	[sflag:s24] =	ssyncset.done @!p0 $0x0  }
0x70: {  	s26 =	sadd.s32 @!p0 $0x190, s25;
	s23 =	simm.s32 @!p0 $0x12C00;
	[sflag:s24] =	ssyncadd.s32 @!p0 $0xFFFF9C00  }
0x71: {  	[tilespmem:s23], [sflag:$0x3] =	stream.indirect.gather @!p0 [hbm4b:s2+s28], $0x80, s26, s28, $0xb8;
	[tilespmem:$0x1F400] =	vst v63  }
0x72: {  	s25 =	sadd.s32 @!p0 $0x1F0, s25;
	s24 =	simm.s32 @!p0 $0x8;
	s23 =	simm.s32 @!p0 $0x15C00  }
0x73: {  	[tilespmem:s23], [sflag:$0x3] =	stream.indirect.gather @!p0 [hbm4b:s2+s29], $0x80, s25, s29, $0xb8;
	[tilespmem:$0x1F400] =	vst v63  }
0x74: {  	_ =	swait.ge @!p0 [sflag:s24], $0x6400  }
0x75: {  	s28 =	sshra.s32 s19, $0x2;
	s26 =	rddreg [dreg:$0x4];
	[sflag:s24] =	ssyncset.done @!p0 $0x0  }
0x76: {  	s30 =	sadd.s32 $0x258, s28;
	s29 =	rddreg [dreg:$0x6];
	[sflag:s24] =	ssyncadd.s32 @!p0 $0xFFFF9C00  }
0x77: {  	[tilespmem:s8], [sflag:$0x4] =	stream.indirect.gather [hbm4b:s2+s26], $0x80, s30, s26, $0xb8;
	[tilespmem:$0x1F400] =	vst v63  }
0x78: {  	s31 =	rddreg [dreg:$0x5];
	s24 =	sadd.s32 $0x2B8, s28  }
0x79: {  	[tilespmem:s31], [sflag:$0x4] =	stream.indirect.gather [hbm4b:s2+s29], $0x80, s24, s29, $0xb8;
	[tilespmem:$0x1F400] =	vst v63  }
0x7a: {  	_ =	swait.ge [sflag:s9], $0x3000  }
0x7b: {  	[sflag:s9] =	ssyncset.done $0x0  }
0x7c: {  	[sflag:s9] =	ssyncadd.s32 $0xFFFFD000  }
0x7d: {  	_ =	swait.ge [sflag:s9], $0x3400  }
0x7e: {  	[sflag:s9] =	ssyncset.done $0x0  }
0x7f: {  	s26 =	sadd.s32 $0xFFFFDA80, s18;
	s25 =	rddreg [dreg:$0x7];
	[sflag:s9] =	ssyncadd.s32 $0xFFFFCC00  }
0x80: {  	[hbm4b:s26+s3] =	stream.linear.scatter [tilespmem:s25], [sflag:$0x5], $0x6400, $0x38;
	[tilespmem:$0x1F400] =	vst v63  }
0x81: {  	_ =	swait.ge [sflag:s10], $0x3000  }
0x82: {  	[sflag:s10] =	ssyncset.done $0x0  }
0x83: {  	[sflag:s10] =	ssyncadd.s32 $0xFFFFD000  }
0x84: {  	_ =	swait.ge [sflag:s10], $0x3400  }
0x85: {  	[sflag:s10] =	ssyncset.done $0x0  }
0x86: {  	s29 =	sadd.s32 $0xFFFFE700, s18;
	s28 =	rddreg [dreg:$0x8];
	[sflag:s10] =	ssyncadd.s32 $0xFFFFCC00  }
0x87: {  	[hbm4b:s29+s3] =	stream.linear.scatter [tilespmem:s28], [sflag:$0x6], $0x6400, $0x38;
	[tilespmem:$0x1F400] =	vst v63  }
0x88: {  	_ =	swait.ge [sflag:s11], $0x3000  }
0x89: {  	[sflag:s11] =	ssyncset.done $0x0  }
0x8a: {  	[sflag:s11] =	ssyncadd.s32 $0xFFFFD000  }
0x8b: {  	s22 =	smov.u32 s20;
	_ =	swait.ge [sflag:s11], $0x3400  }
0x8c: {  	p2 =	seq.s32 s20, $0x0;
	s20 =	sadd.s32 $0xC80, s20;
	[sflag:s11] =	ssyncset.done $0x0  }
0x8d: {  	s31 =	sadd.s32 $0xFFFFF380, s18;
	s30 =	rddreg [dreg:$0x9];
	[sflag:s11] =	ssyncadd.s32 $0xFFFFCC00  }
0x8e: {  	[hbm4b:s31+s3] =	stream.linear.scatter [tilespmem:s30], [sflag:$0x7], $0x6400, $0x38;
	[tilespmem:$0x1F400] =	vst v63  }
0x8f: {  	p1 =	sne.s32 s20, $0x19000;
	_ =	swait.ge [sflag:s12], $0x3000  }
.Ltmp0:
0x90: {  	[sflag:s12] =	ssyncset.done $0x0;
	(pc) =	sbr.rel @p1 .LBB2_2-.Ltmp0, $4  }
0x91: {  	[sflag:s12] =	ssyncadd.s32 $0xFFFFD000  }
0x92: {  	s21 =	smov.u32 s18;
	_ =	swait.ge [sflag:s12], $0x3400  }
0x93: {  	s19 =	smov.u32 s22;
	p0 =	por p2, p2;
	[sflag:s12] =	ssyncset.done $0x0  }
0x94: {  	s23 =	simm.s32 @p0 $0x9400;
	s18 =	sadd.s32 $0x3200, s18;
	[sflag:s12] =	ssyncadd.s32 $0xFFFFCC00  }
0x95: {  	[hbm4b:s21+s3] =	stream.linear.scatter [tilespmem:s8], [sflag:$0x8], $0x6400, $0x38;
	[tilespmem:$0x1F400] =	vst v63  }
0x96: {  	s20 =	sshra.s32 @p0 s19, $0x2;
	s21 =	simm.s32 @p0 $0x60;
	s22 =	simm.s32 @p0 $0x6400  }
0x97: {  	[tilespmem:s22], [sflag:$0x1] =	stream.indirect.gather @p0 [hbm4b:s2+s21], $0x80, s20, s21, $0xb8;
	[tilespmem:$0x1F400] =	vst v63  }
0x98: {  	s24 =	simm.s32 @p0 $0x68;
	s22 =	sadd.s32 @p0 $0x60, s20  }
0x99: {  	[tilespmem:s23], [sflag:$0x1] =	stream.indirect.gather @p0 [hbm4b:s2+s24], $0x80, s22, s24, $0xb8;
	[tilespmem:$0x1F400] =	vst v63  }
0x9a: {  	s22 =	sadd.s32 @p0 $0xC8, s20;
	s23 =	simm.s32 @p0 $0xC800  }
0x9b: {  	[tilespmem:s23], [sflag:$0x2] =	stream.indirect.gather @p0 [hbm4b:s2+s21], $0x80, s22, s21, $0xb8;
	[tilespmem:$0x1F400] =	vst v63  }
0x9c: {  	s22 =	sadd.s32 @p0 $0x128, s20;
	s23 =	simm.s32 @p0 $0xF800  }
0x9d: {  	[tilespmem:s23], [sflag:$0x2] =	stream.indirect.gather @p0 [hbm4b:s2+s24], $0x80, s22, s24, $0xb8;
	[tilespmem:$0x1F400] =	vst v63  }
0x9e: {  	s22 =	sadd.s32 @p0 $0x190, s20;
	s23 =	simm.s32 @p0 $0x12C00  }
0x9f: {  	[tilespmem:s23], [sflag:$0x3] =	stream.indirect.gather @p0 [hbm4b:s2+s21], $0x80, s22, s21, $0xb8;
	[tilespmem:$0x1F400] =	vst v63  }
0xa0: {  	s20 =	sadd.s32 @p0 $0x1F0, s20;
	s21 =	simm.s32 @p0 $0x15C00;
	s22 =	simm.s32 @!p0 $0x5  }
0xa1: {  	[tilespmem:s21], [sflag:$0x3] =	stream.indirect.gather @p0 [hbm4b:s2+s24], $0x80, s20, s24, $0xb8;
	[tilespmem:$0x1F400] =	vst v63  }
0xa2: {  	_ =	swait.ge @!p0 [sflag:s22], $0x6400  }
0xa3: {  	s25 =	simm.s32 @!p0 $0x68;
	s23 =	simm.s32 @!p0 $0x60;
	[sflag:s22] =	ssyncset.done @!p0 $0x0  }
0xa4: {  	s21 =	simm.s32 @!p0 $0x6400;
	[sflag:s22] =	ssyncadd.s32 @!p0 $0xFFFF9C00;
	s22 =	sshra.s32 @!p0 s19, $0x2  }
0xa5: {  	[tilespmem:s21], [sflag:$0x1] =	stream.indirect.gather @!p0 [hbm4b:s2+s23], $0x80, s22, s23, $0xb8;
	[tilespmem:$0x1F400] =	vst v63  }
0xa6: {  	s20 =	simm.s32 @!p0 $0x6;
	s21 =	simm.s32 @!p0 $0x9400;
	s24 =	sadd.s32 @!p0 $0x60, s22  }
0xa7: {  	[tilespmem:s21], [sflag:$0x1] =	stream.indirect.gather @!p0 [hbm4b:s2+s25], $0x80, s24, s25, $0xb8;
	[tilespmem:$0x1F400] =	vst v63  }
0xa8: {  	_ =	swait.ge @!p0 [sflag:s20], $0x6400  }
0xa9: {  	[sflag:s20] =	ssyncset.done @!p0 $0x0  }
0xaa: {  	s21 =	sadd.s32 @!p0 $0xC8, s22;
	[sflag:s20] =	ssyncadd.s32 @!p0 $0xFFFF9C00;
	s20 =	simm.s32 @!p0 $0xC800  }
0xab: {  	[tilespmem:s20], [sflag:$0x2] =	stream.indirect.gather @!p0 [hbm4b:s2+s23], $0x80, s21, s23, $0xb8;
	[tilespmem:$0x1F400] =	vst v63  }
0xac: {  	s24 =	simm.s32 @!p0 $0x7;
	s20 =	sadd.s32 @!p0 $0x128, s22;
	s21 =	simm.s32 @!p0 $0xF800  }
0xad: {  	[tilespmem:s21], [sflag:$0x2] =	stream.indirect.gather @!p0 [hbm4b:s2+s25], $0x80, s20, s25, $0xb8;
	[tilespmem:$0x1F400] =	vst v63  }
0xae: {  	_ =	swait.ge @!p0 [sflag:s24], $0x6400  }
0xaf: {  	[sflag:s24] =	ssyncset.done @!p0 $0x0  }
0xb0: {  	s20 =	sadd.s32 @!p0 $0x190, s22;
	s21 =	simm.s32 @!p0 $0x12C00;
	[sflag:s24] =	ssyncadd.s32 @!p0 $0xFFFF9C00  }
0xb1: {  	[tilespmem:s21], [sflag:$0x3] =	stream.indirect.gather @!p0 [hbm4b:s2+s23], $0x80, s20, s23, $0xb8;
	[tilespmem:$0x1F400] =	vst v63  }
0xb2: {  	s20 =	sadd.s32 @!p0 $0x1F0, s22;
	s21 =	simm.s32 @!p0 $0x15C00;
	s22 =	simm.s32 @!p0 $0x8  }
0xb3: {  	[tilespmem:s21], [sflag:$0x3] =	stream.indirect.gather @!p0 [hbm4b:s2+s25], $0x80, s20, s25, $0xb8;
	[tilespmem:$0x1F400] =	vst v63  }
0xb4: {  	_ =	swait.ge @!p0 [sflag:s22], $0x6400  }
0xb5: {  	s30 =	sshra.s32 s19, $0x2;
	s29 =	rddreg [dreg:$0x4];
	[sflag:s22] =	ssyncset.done @!p0 $0x0  }
0xb6: {  	s23 =	sadd.s32 $0x258, s30;
	s31 =	rddreg [dreg:$0x6];
	[sflag:s22] =	ssyncadd.s32 @!p0 $0xFFFF9C00  }
0xb7: {  	[tilespmem:s8], [sflag:$0x4] =	stream.indirect.gather [hbm4b:s2+s29], $0x80, s23, s29, $0xb8;
	[tilespmem:$0x1F400] =	vst v63  }
0xb8: {  	s19 =	sadd.s32 $0x2B8, s30;
	s24 =	rddreg [dreg:$0x5]  }
0xb9: {  	[tilespmem:s24], [sflag:$0x4] =	stream.indirect.gather [hbm4b:s2+s31], $0x80, s19, s31, $0xb8;
	[tilespmem:$0x1F400] =	vst v63  }
0xba: {  	_ =	swait.ge [sflag:s9], $0x3000  }
0xbb: {  	[sflag:s9] =	ssyncset.done $0x0  }
0xbc: {  	[sflag:s9] =	ssyncadd.s32 $0xFFFFD000  }
0xbd: {  	_ =	swait.ge [sflag:s9], $0x3400  }
0xbe: {  	[sflag:s9] =	ssyncset.done $0x0  }
0xbf: {  	s26 =	sadd.s32 $0xFFFFDA80, s18;
	s25 =	rddreg [dreg:$0x7];
	[sflag:s9] =	ssyncadd.s32 $0xFFFFCC00  }
0xc0: {  	[hbm4b:s26+s3] =	stream.linear.scatter [tilespmem:s25], [sflag:$0x5], $0x6400, $0x38;
	[tilespmem:$0x1F400] =	vst v63  }
0xc1: {  	_ =	swait.ge [sflag:s10], $0x3000  }
0xc2: {  	[sflag:s10] =	ssyncset.done $0x0  }
0xc3: {  	[sflag:s10] =	ssyncadd.s32 $0xFFFFD000  }
0xc4: {  	_ =	swait.ge [sflag:s10], $0x3400  }
0xc5: {  	[sflag:s10] =	ssyncset.done $0x0  }
0xc6: {  	s29 =	sadd.s32 $0xFFFFE700, s18;
	s28 =	rddreg [dreg:$0x8];
	[sflag:s10] =	ssyncadd.s32 $0xFFFFCC00  }
0xc7: {  	[hbm4b:s29+s3] =	stream.linear.scatter [tilespmem:s28], [sflag:$0x6], $0x6400, $0x38;
	[tilespmem:$0x1F400] =	vst v63  }
0xc8: {  	_ =	swait.ge [sflag:s11], $0x3000  }
0xc9: {  	[sflag:s11] =	ssyncset.done $0x0  }
0xca: {  	[sflag:s11] =	ssyncadd.s32 $0xFFFFD000  }
0xcb: {  	_ =	swait.ge [sflag:s11], $0x3400  }
0xcc: {  	[sflag:s11] =	ssyncset.done $0x0  }
0xcd: {  	s31 =	sadd.s32 $0xFFFFF380, s18;
	s30 =	rddreg [dreg:$0x9];
	[sflag:s11] =	ssyncadd.s32 $0xFFFFCC00  }
0xce: {  	[hbm4b:s31+s3] =	stream.linear.scatter [tilespmem:s30], [sflag:$0x7], $0x6400, $0x38;
	[tilespmem:$0x1F400] =	vst v63  }
0xcf: {  	_ =	swait.ge [sflag:s12], $0x3000  }
0xd0: {  	[sflag:s12] =	ssyncset.done $0x0  }
0xd1: {  	[sflag:s12] =	ssyncadd.s32 $0xFFFFD000  }
0xd2: {  	_ =	swait.ge [sflag:s12], $0x3400  }
0xd3: {  	[sflag:s12] =	ssyncset.done $0x0  }
0xd4: {  	[sflag:s12] =	ssyncadd.s32 $0xFFFFCC00  }
0xd5: {  	[hbm4b:s18+s3] =	stream.linear.scatter [tilespmem:s8], [sflag:$0x8], $0x6400, $0x38;
	[tilespmem:$0x1F400] =	vst v63  }
0xd6: {  	_ =	swait.ge [sflag:s13], $0x6400  }
0xd7: {  	[sflag:s13] =	ssyncset.done $0x0  }
0xd8: {  	[sflag:s13] =	ssyncadd.s32 $0xFFFF9C00  }
0xd9: {  	_ =	swait.ge [sflag:s14], $0x6400  }
0xda: {  	[sflag:s14] =	ssyncset.done $0x0  }
0xdb: {  	s17 =	sadd.s32 $0x1, s17;
	[sflag:s14] =	ssyncadd.s32 $0xFFFF9C00  }
0xdc: {  	p0 =	sne.s32 s17, s5;
	_ =	swait.ge [sflag:s15], $0x6400  }
.Ltmp1:
0xdd: {  	[sflag:s15] =	ssyncset.done $0x0;
	(pc) =	sbr.rel @p0 .LBB2_1-.Ltmp1, $4  }
0xde: {  	[sflag:s15] =	ssyncadd.s32 $0xFFFF9C00  }
0xdf: {  	_ =	swait.ge [sflag:s16], $0x6400  }
0xe0: {  	[sflag:s16] =	ssyncset.done $0x0  }
0xe1: {  	[sflag:s16] =	ssyncadd.s32 $0xFFFF9C00  }
0xe2: {  	_ =	sfence.sel $0x180000  }
0xe3: {  	[bflag:$0x0] =	sbarrier.arrive $0xFFFF  }
0xe4: {  	p0 =	sne.s32 s0, $0x0;
	_ =	strace $0x90000047  }
0xe5: {  	s0 =	sadd.s32 @!p0 $0x100000, s1;
	[bflag:$0x2] =	sbarrier.arrive $0xFFFF  }
0xe6: {  	[sflag:s0] =	ssyncadd.tile.s32 @!p0 $0x1;
	_ =	shalt  }
.Lfunc_end2:
_tile_overlayer_lowered:
.L_overlay_start_2:
0xe7: {  	(tag) =	ssettag $0x2  }
0xe8: {  	s0 =	rddreg [dreg:$0x0];
	s2 =	stileid.u32  }
0xe9: {  	s1 =	rddreg [dreg:$0x1];
	p0 =	sne.s32 s2, $0x0  }
0xea: {  	s3 =	rddreg [dreg:$0x2];
	[bflag:$0x3] =	sbarrier.arrive $0xFFFF;
	s2 =	simm.s32 @!p0 $0x1C09  }
0xeb: {  	[timem:s3], [sflag:s2] =	dma.local @!p0 [hbm:s0], s1  }
0xec: {  	s0 =	simm.s32 @!p0 $0x9  }
0xed: {  	_ =	swait.ge @!p0 [sflag:s0], s1  }
0xee: {  	s1 =	ssub.s32 @!p0 $0x0, s1;
	[sflag:s0] =	ssyncset.done @!p0 $0x0  }
0xef: {  	[sflag:s0] =	ssyncadd.s32 @!p0 s1  }
0xf0: {  	[bflag:$0x3] =	sbarrier.arrive $0xFFFF  }
0xf1: {  	_ =	shalt  }

</sc_bundles>
